<compile_context>
chip_gen: v7x
topology: tpu7x:2x2x1
jax: 0.10.2.dev20260603
libtpu: 0.0.44.dev20260713+nightly
codegen_flags: <defaults>
</compile_context>

<pallas_src>
import functools

import jax
import jax.numpy as jnp
from jax import lax
from jax.experimental import pallas as pl
from jax.experimental.pallas import tpu as pltpu
from jax.experimental.pallas import tpu_sc as plsc

_D = 4096
_B = 257
_NC = 2
_NS = 16
_NW = _NC * _NS
_RPW = 8
_CHUNK = 4
_NCH = _RPW // _CHUNK

_mesh = plsc.VectorSubcoreMesh(core_axis_name="c", subcore_axis_name="s")


@functools.partial(
    pl.kernel,
    out_type=[
        jax.ShapeDtypeStruct((1, _D), jnp.float32),
        jax.ShapeDtypeStruct((_B - 1, _D), jnp.float32),
    ],
    mesh=_mesh,
    compiler_params=pltpu.CompilerParams(needs_layout_passes=False),
    scratch_types=(
        [pltpu.VMEM((16,), jnp.int32)]
        + [pltpu.VMEM((16,), jnp.int32) for _ in range(_NCH)]
        + [pltpu.VMEM((_CHUNK, _D), jnp.float32) for _ in range(_NCH)]
        + [
            pltpu.VMEM((1,), jnp.int32),
            pltpu.VMEM((1, _D), jnp.float32),
        ]
        + [pltpu.SemaphoreType.DMA for _ in range(_NCH)]
        + [pltpu.SemaphoreType.DMA, pltpu.SemaphoreType.DMA]
    ),
)
def _sc_gather(table_hbm, idx_hbm, pc_hbm, fields_hbm, *refs):
    idx_v16 = refs[0]
    idx_s = refs[1:1 + _NCH]
    rows = refs[1 + _NCH:1 + 2 * _NCH]
    idxp_v = refs[1 + 2 * _NCH]
    row_pc = refs[2 + 2 * _NCH]
    sem_g = refs[3 + 2 * _NCH:3 + 3 * _NCH]
    sem_p = refs[3 + 3 * _NCH]
    sem_s = refs[4 + 3 * _NCH]

    wid = lax.axis_index("s") * _NC + lax.axis_index("c")
    base = jnp.where(wid == _NW - 2, (_NW - 1) * _RPW,
                     jnp.where(wid == _NW - 1, (_NW - 2) * _RPW, wid * _RPW))
    is_w0 = wid == 0
    is_wlast = wid == _NW - 2

    lanes = lax.iota(jnp.int32, 16)
    p0 = pltpu.async_copy(idx_hbm.at[pl.ds(base, 8)],
                          idx_v16.at[pl.ds(0, 8)], sem_s)

    @pl.when(is_w0)
    def _():
        pltpu.sync_copy(idx_hbm.at[pl.ds(0, 1)], idxp_v)
        pltpu.async_copy(table_hbm.at[idxp_v], row_pc, sem_p)

    p0.wait()
    idx_s[0][...] = plsc.load_gather(idx_v16, [jnp.minimum(lanes + 1, 15)])
    gathers = [pltpu.async_copy(
        table_hbm.at[idx_s[0].at[pl.ds(0, _CHUNK)]], rows[0], sem_g[0])]

    @pl.when(jnp.logical_not(is_wlast))
    def _():
        pltpu.sync_copy(idx_hbm.at[pl.ds(base + 8, 8)], idx_v16.at[pl.ds(8, 8)])

    @pl.when(is_wlast)
    def _():
        pltpu.sync_copy(idx_hbm.at[pl.ds(_B - 1, 1)], idx_v16.at[pl.ds(8, 1)])

    for k in range(1, _NCH):
        idx_s[k][...] = plsc.load_gather(
            idx_v16, [jnp.minimum(lanes + 1 + k * _CHUNK, 15)])
        gathers.append(pltpu.async_copy(
            table_hbm.at[idx_s[k].at[pl.ds(0, _CHUNK)]], rows[k], sem_g[k]))

    scatters = []
    for k in range(_NCH):
        gathers[k].wait()
        scatters.append(pltpu.async_copy(
            rows[k], fields_hbm.at[pl.ds(base + k * _CHUNK, _CHUNK)], sem_s))

    @pl.when(is_w0)
    def _():
        pltpu.make_async_copy(table_hbm.at[idxp_v], row_pc, sem_p).wait()
        pltpu.async_copy(row_pc, pc_hbm, sem_p).wait()

    for s in scatters:
        s.wait()


def kernel(hidden_state, schema_indices):
    table = hidden_state[0]
    pc_emb, field_embs = _sc_gather(table, schema_indices)
    return (pc_emb, field_embs)

# --- scband reference (transcript-rebuilt; emitter-appended) ---
"""Pipeline reference for scband-schema-gather-wrapper-20444044329442 (READ-ONLY COPY).

The authoritative reference and input builder live on the scoring server;
editing this copy changes nothing except your own understanding.
"""

import jax, jax.numpy as jnp
import numpy as np


def setup_inputs(seed: int = 0) -> dict:
    key = jax.random.key(seed)
    k1, k2 = jax.random.split(key)
    hidden_state = jax.random.normal(k1, (1, 8192, 4096), dtype=jnp.float32)
    schema_indices = jax.random.randint(k2, (257,), 0, 8192, dtype=jnp.int64 if jax.config.jax_enable_x64 else jnp.int32)
    schema_indices = schema_indices.astype(jnp.int32)
    return {"hidden_state": hidden_state, "schema_indices": schema_indices}


def reference(hidden_state, schema_indices):
    # gathered = hidden_state[0, schema_indices, :]
    gathered = jnp.take(hidden_state[0], schema_indices, axis=0)
    pc_emb = gathered[0:1, :]
    field_embs = gathered[1:, :]
    return (pc_emb, field_embs)

if __name__ == "__main__":
    import jax
    _d = setup_inputs()
    print(jax.jit(kernel)(*tuple(_d.values())))

</pallas_src>

<mosaic_0001>
#map = affine_map<(d0, d1) -> (0, 0)>
#map1 = affine_map<(d0, d1) -> (0)>
module attributes {stable_mosaic.version = 14 : i64} {
  func.func @_sc_gather(%arg0: i32, %arg1: i32, %arg2: memref<8192x4096xf32, #tpu.memory_space<hbm>>, %arg3: memref<257xi32, #tpu.memory_space<hbm>>, %arg4: memref<1x4096xf32, #tpu.memory_space<hbm>>, %arg5: memref<256x4096xf32, #tpu.memory_space<hbm>>, %arg6: memref<16xi32, #tpu.memory_space<vmem>>, %arg7: memref<16xi32, #tpu.memory_space<vmem>>, %arg8: memref<16xi32, #tpu.memory_space<vmem>>, %arg9: memref<4x4096xf32, #tpu.memory_space<vmem>>, %arg10: memref<4x4096xf32, #tpu.memory_space<vmem>>, %arg11: memref<1xi32, #tpu.memory_space<vmem>>, %arg12: memref<1x4096xf32, #tpu.memory_space<vmem>>, %arg13: memref<!tpu.dma_semaphore, #tpu.memory_space<semaphore_mem>>, %arg14: memref<!tpu.dma_semaphore, #tpu.memory_space<semaphore_mem>>, %arg15: memref<!tpu.dma_semaphore, #tpu.memory_space<semaphore_mem>>, %arg16: memref<!tpu.dma_semaphore, #tpu.memory_space<semaphore_mem>>) attributes {dimension_semantics = [#tpu.dimension_semantics<core_parallel>, #tpu.dimension_semantics<subcore_parallel>], iteration_bounds = array<i64: 2, 16>, scalar_prefetch = 0 : i64, scratch_operands = 11 : i64, tpu.core_type = #tpu.core_type<sc_vector_subcore>, window_params = [{transform_indices = #map}, {transform_indices = #map1}, {transform_indices = #map}, {transform_indices = #map}]} {
    %mul3A = arith.constant 2 : i32
    %mul3A_0 = arith.muli %arg1, %mul3A : i32
    %add3A = arith.addi %mul3A_0, %arg0 : i32
    %eq3A = arith.constant 30 : i32
    %eq3A_1 = arith.cmpi eq, %add3A, %eq3A : i32
    %eq3A_2 = arith.constant 31 : i32
    %eq3A_3 = arith.cmpi eq, %add3A, %eq3A_2 : i32
    %mul3A_4 = arith.constant 8 : i32
    %mul3A_5 = arith.muli %add3A, %mul3A_4 : i32
    %jit3A = arith.constant 240 : i32
    %select_n3A = arith.select %eq3A_3, %jit3A, %mul3A_5 : i32
    %jit3A_6 = arith.constant 248 : i32
    %select_n3A_7 = arith.select %eq3A_1, %jit3A_6, %select_n3A : i32
    %eq3A_8 = arith.constant 0 : i32
    %eq3A_9 = arith.cmpi eq, %add3A, %eq3A_8 : i32
    %eq3A_10 = arith.constant 30 : i32
    %eq3A_11 = arith.cmpi eq, %add3A, %eq3A_10 : i32
    %iota3A = tpu.iota {dimensions = array<i32: 0>} : vector<16xi32>
    %dma_start3A = arith.constant 0 : i32
    %dma_start3A_12 = tpu.memref_slice %arg6[%dma_start3A] : memref<16xi32, #tpu.memory_space<vmem>> -> memref<8xi32, #tpu.memory_space<vmem>>
    %dma_start3A_13 = tpu.memref_slice %arg3[%select_n3A_7] : memref<257xi32, #tpu.memory_space<hbm>> -> memref<8xi32, #tpu.memory_space<hbm>>
    %dma_start3A_14 = arith.constant 0 : i32
    %dma_start3A_15 = tpu.memref_slice %arg6[%dma_start3A_14] : memref<16xi32, #tpu.memory_space<vmem>> -> memref<8xi32, #tpu.memory_space<vmem>>
    %dma_start3A_16 = tpu.memref_slice %arg3[%select_n3A_7] : memref<257xi32, #tpu.memory_space<hbm>> -> memref<8xi32, #tpu.memory_space<hbm>>
    tpu.enqueue_dma source(%dma_start3A_16 : memref<8xi32, #tpu.memory_space<hbm>>) target(%dma_start3A_15 : memref<8xi32, #tpu.memory_space<vmem>>) target_semaphore(%arg16 : memref<!tpu.dma_semaphore, #tpu.memory_space<semaphore_mem>>)
    %convert_element_type3A = arith.extui %eq3A_9 : i1 to i32
    %cond3A = arith.constant 0 : i32
    %cond3A_17 = arith.cmpi ne, %convert_element_type3A, %cond3A : i32
    scf.if %cond3A_17 {
      "tpu.region"() ({
        %run_scoped3A = tpu.sem_alloc : memref<!tpu.dma_semaphore, #tpu.memory_space<semaphore_mem>>
        %dma_start3A_94 = arith.constant 0 : i32
        %dma_start3A_95 = tpu.memref_slice %arg3[%dma_start3A_94] : memref<257xi32, #tpu.memory_space<hbm>> -> memref<1xi32, #tpu.memory_space<hbm>>
        %dma_start3A_96 = arith.constant 0 : i32
        %dma_start3A_97 = tpu.memref_slice %arg3[%dma_start3A_96] : memref<257xi32, #tpu.memory_space<hbm>> -> memref<1xi32, #tpu.memory_space<hbm>>
        tpu.enqueue_dma source(%dma_start3A_97 : memref<1xi32, #tpu.memory_space<hbm>>) target(%arg11 : memref<1xi32, #tpu.memory_space<vmem>>) target_semaphore(%run_scoped3A : memref<!tpu.dma_semaphore, #tpu.memory_space<semaphore_mem>>)
        %dma_wait3A_98 = arith.constant 0 : i32
        %dma_wait3A_99 = tpu.memref_slice %arg3[%dma_wait3A_98] : memref<257xi32, #tpu.memory_space<hbm>> -> memref<1xi32, #tpu.memory_space<hbm>>
        %dma_wait3A_100 = arith.constant 0 : i32
        %dma_wait3A_101 = tpu.memref_slice %arg3[%dma_wait3A_100] : memref<257xi32, #tpu.memory_space<hbm>> -> memref<1xi32, #tpu.memory_space<hbm>>
        tpu.wait_dma2 semaphore(%run_scoped3A : memref<!tpu.dma_semaphore, #tpu.memory_space<semaphore_mem>>) src(%dma_wait3A_101 : memref<1xi32, #tpu.memory_space<hbm>>) dst(%arg11 : memref<1xi32, #tpu.memory_space<vmem>>)
        tpu.yield
      }) : () -> ()
      %dma_start3A_91 = arith.constant 0 : i32
      %dma_start3A_92 = arith.constant 0 : i32
      %dma_start3A_93 = tpu.memref_slice %arg2[%dma_start3A_91, %dma_start3A_92] : memref<8192x4096xf32, #tpu.memory_space<hbm>> -> memref<8192x4096xf32, #tpu.memory_space<hbm>>
      tpu.enqueue_indirect_dma source(%dma_start3A_93 : memref<8192x4096xf32, #tpu.memory_space<hbm>>) target(%arg12 : memref<1x4096xf32, #tpu.memory_space<vmem>>) offsets(%arg11 : memref<1xi32, #tpu.memory_space<vmem>>) semaphore(%arg15 : memref<!tpu.dma_semaphore, #tpu.memory_space<semaphore_mem>>)
    } else {
    }
    %dma_wait3A = arith.constant 0 : i32
    %dma_wait3A_18 = tpu.memref_slice %arg6[%dma_wait3A] : memref<16xi32, #tpu.memory_space<vmem>> -> memref<8xi32, #tpu.memory_space<vmem>>
    %dma_wait3A_19 = tpu.memref_slice %arg3[%select_n3A_7] : memref<257xi32, #tpu.memory_space<hbm>> -> memref<8xi32, #tpu.memory_space<hbm>>
    %dma_wait3A_20 = arith.constant 0 : i32
    %dma_wait3A_21 = tpu.memref_slice %arg6[%dma_wait3A_20] : memref<16xi32, #tpu.memory_space<vmem>> -> memref<8xi32, #tpu.memory_space<vmem>>
    %dma_wait3A_22 = tpu.memref_slice %arg3[%select_n3A_7] : memref<257xi32, #tpu.memory_space<hbm>> -> memref<8xi32, #tpu.memory_space<hbm>>
    tpu.wait_dma2 semaphore(%arg16 : memref<!tpu.dma_semaphore, #tpu.memory_space<semaphore_mem>>) src(%dma_wait3A_22 : memref<8xi32, #tpu.memory_space<hbm>>) dst(%dma_wait3A_21 : memref<8xi32, #tpu.memory_space<vmem>>)
    %add3A_23 = arith.constant 1 : i32
    %add3A_24 = vector.broadcast %add3A_23 : i32 to vector<16xi32>
    %add3A_25 = arith.addi %iota3A, %add3A_24 : vector<16xi32>
    %min3A = arith.constant 15 : i32
    %min3A_26 = vector.broadcast %min3A : i32 to vector<16xi32>
    %min3A_27 = arith.minsi %add3A_25, %min3A_26 : vector<16xi32>
    %gather3A = tpu.vector_load_idx %arg6[%min3A_27] : memref<16xi32, #tpu.memory_space<vmem>>[vector<16xi32>], vector<16xi32>,
    %swap3A = arith.constant 0 : index
    %swap3A_28 = tpu.vector_load %arg7[%swap3A] {strides = array<i32>} : memref<16xi32, #tpu.memory_space<vmem>>, vector<16xi32>,
    tpu.vector_store %arg7[%swap3A], %gather3A {strides = array<i32>} : memref<16xi32, #tpu.memory_space<vmem>>, vector<16xi32>,
    %dma_start3A_29 = arith.constant 0 : i32
    %dma_start3A_30 = tpu.memref_slice %arg7[%dma_start3A_29] : memref<16xi32, #tpu.memory_space<vmem>> -> memref<4xi32, #tpu.memory_space<vmem>>
    %dma_start3A_31 = arith.constant 0 : i32
    %dma_start3A_32 = arith.constant 0 : i32
    %dma_start3A_33 = tpu.memref_slice %arg2[%dma_start3A_31, %dma_start3A_32] : memref<8192x4096xf32, #tpu.memory_space<hbm>> -> memref<8192x4096xf32, #tpu.memory_space<hbm>>
    tpu.enqueue_indirect_dma source(%dma_start3A_33 : memref<8192x4096xf32, #tpu.memory_space<hbm>>) target(%arg9 : memref<4x4096xf32, #tpu.memory_space<vmem>>) offsets(%dma_start3A_30 : memref<4xi32, #tpu.memory_space<vmem>>) semaphore(%arg13 : memref<!tpu.dma_semaphore, #tpu.memory_space<semaphore_mem>>)
    %not3A = arith.constant true
    %not3A_34 = arith.xori %eq3A_11, %not3A : i1
    %convert_element_type3A_35 = arith.extui %not3A_34 : i1 to i32
    %cond3A_36 = arith.constant 0 : i32
    %cond3A_37 = arith.cmpi ne, %convert_element_type3A_35, %cond3A_36 : i32
    scf.if %cond3A_37 {
      %add3A_91 = arith.constant 8 : i32
      %add3A_92 = arith.addi %select_n3A_7, %add3A_91 : i32
      "tpu.region"() ({
        %run_scoped3A = tpu.sem_alloc : memref<!tpu.dma_semaphore, #tpu.memory_space<semaphore_mem>>
        %dma_start3A_93 = arith.constant 8 : i32
        %dma_start3A_94 = tpu.memref_slice %arg6[%dma_start3A_93] : memref<16xi32, #tpu.memory_space<vmem>> -> memref<8xi32, #tpu.memory_space<vmem>>
        %dma_start3A_95 = tpu.memref_slice %arg3[%add3A_92] : memref<257xi32, #tpu.memory_space<hbm>> -> memref<8xi32, #tpu.memory_space<hbm>>
        %dma_start3A_96 = arith.constant 8 : i32
        %dma_start3A_97 = tpu.memref_slice %arg6[%dma_start3A_96] : memref<16xi32, #tpu.memory_space<vmem>> -> memref<8xi32, #tpu.memory_space<vmem>>
        %dma_start3A_98 = tpu.memref_slice %arg3[%add3A_92] : memref<257xi32, #tpu.memory_space<hbm>> -> memref<8xi32, #tpu.memory_space<hbm>>
        tpu.enqueue_dma source(%dma_start3A_98 : memref<8xi32, #tpu.memory_space<hbm>>) target(%dma_start3A_97 : memref<8xi32, #tpu.memory_space<vmem>>) target_semaphore(%run_scoped3A : memref<!tpu.dma_semaphore, #tpu.memory_space<semaphore_mem>>)
        %dma_wait3A_99 = arith.constant 8 : i32
        %dma_wait3A_100 = tpu.memref_slice %arg6[%dma_wait3A_99] : memref<16xi32, #tpu.memory_space<vmem>> -> memref<8xi32, #tpu.memory_space<vmem>>
        %dma_wait3A_101 = tpu.memref_slice %arg3[%add3A_92] : memref<257xi32, #tpu.memory_space<hbm>> -> memref<8xi32, #tpu.memory_space<hbm>>
        %dma_wait3A_102 = arith.constant 8 : i32
        %dma_wait3A_103 = tpu.memref_slice %arg6[%dma_wait3A_102] : memref<16xi32, #tpu.memory_space<vmem>> -> memref<8xi32, #tpu.memory_space<vmem>>
        %dma_wait3A_104 = tpu.memref_slice %arg3[%add3A_92] : memref<257xi32, #tpu.memory_space<hbm>> -> memref<8xi32, #tpu.memory_space<hbm>>
        tpu.wait_dma2 semaphore(%run_scoped3A : memref<!tpu.dma_semaphore, #tpu.memory_space<semaphore_mem>>) src(%dma_wait3A_104 : memref<8xi32, #tpu.memory_space<hbm>>) dst(%dma_wait3A_103 : memref<8xi32, #tpu.memory_space<vmem>>)
        tpu.yield
      }) : () -> ()
    } else {
    }
    %convert_element_type3A_38 = arith.extui %eq3A_11 : i1 to i32
    %cond3A_39 = arith.constant 0 : i32
    %cond3A_40 = arith.cmpi ne, %convert_element_type3A_38, %cond3A_39 : i32
    scf.if %cond3A_40 {
      "tpu.region"() ({
        %run_scoped3A = tpu.sem_alloc : memref<!tpu.dma_semaphore, #tpu.memory_space<semaphore_mem>>
        %dma_start3A_91 = arith.constant 8 : i32
        %dma_start3A_92 = tpu.memref_slice %arg6[%dma_start3A_91] : memref<16xi32, #tpu.memory_space<vmem>> -> memref<1xi32, #tpu.memory_space<vmem>>
        %dma_start3A_93 = arith.constant 256 : i32
        %dma_start3A_94 = tpu.memref_slice %arg3[%dma_start3A_93] : memref<257xi32, #tpu.memory_space<hbm>> -> memref<1xi32, #tpu.memory_space<hbm>>
        %dma_start3A_95 = arith.constant 8 : i32
        %dma_start3A_96 = tpu.memref_slice %arg6[%dma_start3A_95] : memref<16xi32, #tpu.memory_space<vmem>> -> memref<1xi32, #tpu.memory_space<vmem>>
        %dma_start3A_97 = arith.constant 256 : i32
        %dma_start3A_98 = tpu.memref_slice %arg3[%dma_start3A_97] : memref<257xi32, #tpu.memory_space<hbm>> -> memref<1xi32, #tpu.memory_space<hbm>>
        tpu.enqueue_dma source(%dma_start3A_98 : memref<1xi32, #tpu.memory_space<hbm>>) target(%dma_start3A_96 : memref<1xi32, #tpu.memory_space<vmem>>) target_semaphore(%run_scoped3A : memref<!tpu.dma_semaphore, #tpu.memory_space<semaphore_mem>>)
        %dma_wait3A_99 = arith.constant 8 : i32
        %dma_wait3A_100 = tpu.memref_slice %arg6[%dma_wait3A_99] : memref<16xi32, #tpu.memory_space<vmem>> -> memref<1xi32, #tpu.memory_space<vmem>>
        %dma_wait3A_101 = arith.constant 256 : i32
        %dma_wait3A_102 = tpu.memref_slice %arg3[%dma_wait3A_101] : memref<257xi32, #tpu.memory_space<hbm>> -> memref<1xi32, #tpu.memory_space<hbm>>
        %dma_wait3A_103 = arith.constant 8 : i32
        %dma_wait3A_104 = tpu.memref_slice %arg6[%dma_wait3A_103] : memref<16xi32, #tpu.memory_space<vmem>> -> memref<1xi32, #tpu.memory_space<vmem>>
        %dma_wait3A_105 = arith.constant 256 : i32
        %dma_wait3A_106 = tpu.memref_slice %arg3[%dma_wait3A_105] : memref<257xi32, #tpu.memory_space<hbm>> -> memref<1xi32, #tpu.memory_space<hbm>>
        tpu.wait_dma2 semaphore(%run_scoped3A : memref<!tpu.dma_semaphore, #tpu.memory_space<semaphore_mem>>) src(%dma_wait3A_106 : memref<1xi32, #tpu.memory_space<hbm>>) dst(%dma_wait3A_104 : memref<1xi32, #tpu.memory_space<vmem>>)
        tpu.yield
      }) : () -> ()
    } else {
    }
    %add3A_41 = arith.constant 1 : i32
    %add3A_42 = vector.broadcast %add3A_41 : i32 to vector<16xi32>
    %add3A_43 = arith.addi %iota3A, %add3A_42 : vector<16xi32>
    %add3A_44 = arith.constant 4 : i32
    %add3A_45 = vector.broadcast %add3A_44 : i32 to vector<16xi32>
    %add3A_46 = arith.addi %add3A_43, %add3A_45 : vector<16xi32>
    %min3A_47 = arith.constant 15 : i32
    %min3A_48 = vector.broadcast %min3A_47 : i32 to vector<16xi32>
    %min3A_49 = arith.minsi %add3A_46, %min3A_48 : vector<16xi32>
    %gather3A_50 = tpu.vector_load_idx %arg6[%min3A_49] : memref<16xi32, #tpu.memory_space<vmem>>[vector<16xi32>], vector<16xi32>,
    %swap3A_51 = arith.constant 0 : index
    %swap3A_52 = tpu.vector_load %arg8[%swap3A_51] {strides = array<i32>} : memref<16xi32, #tpu.memory_space<vmem>>, vector<16xi32>,
    tpu.vector_store %arg8[%swap3A_51], %gather3A_50 {strides = array<i32>} : memref<16xi32, #tpu.memory_space<vmem>>, vector<16xi32>,
    %dma_start3A_53 = arith.constant 0 : i32
    %dma_start3A_54 = tpu.memref_slice %arg8[%dma_start3A_53] : memref<16xi32, #tpu.memory_space<vmem>> -> memref<4xi32, #tpu.memory_space<vmem>>
    %dma_start3A_55 = arith.constant 0 : i32
    %dma_start3A_56 = arith.constant 0 : i32
    %dma_start3A_57 = tpu.memref_slice %arg2[%dma_start3A_55, %dma_start3A_56] : memref<8192x4096xf32, #tpu.memory_space<hbm>> -> memref<8192x4096xf32, #tpu.memory_space<hbm>>
    tpu.enqueue_indirect_dma source(%dma_start3A_57 : memref<8192x4096xf32, #tpu.memory_space<hbm>>) target(%arg10 : memref<4x4096xf32, #tpu.memory_space<vmem>>) offsets(%dma_start3A_54 : memref<4xi32, #tpu.memory_space<vmem>>) semaphore(%arg14 : memref<!tpu.dma_semaphore, #tpu.memory_space<semaphore_mem>>)
    %dma_wait3A_58 = arith.constant 0 : i32
    %dma_wait3A_59 = tpu.memref_slice %arg7[%dma_wait3A_58] : memref<16xi32, #tpu.memory_space<vmem>> -> memref<4xi32, #tpu.memory_space<vmem>>
    %dma_wait3A_60 = arith.constant 0 : i32
    %dma_wait3A_61 = arith.constant 0 : i32
    %dma_wait3A_62 = tpu.memref_slice %arg2[%dma_wait3A_60, %dma_wait3A_61] : memref<8192x4096xf32, #tpu.memory_space<hbm>> -> memref<8192x4096xf32, #tpu.memory_space<hbm>>
    tpu.wait_indirect_dma semaphore(%arg13 : memref<!tpu.dma_semaphore, #tpu.memory_space<semaphore_mem>>) src(%dma_wait3A_62 : memref<8192x4096xf32, #tpu.memory_space<hbm>>) dst(%arg9 : memref<4x4096xf32, #tpu.memory_space<vmem>>)
    %add3A_63 = arith.constant 0 : i32
    %add3A_64 = arith.addi %select_n3A_7, %add3A_63 : i32
    %dma_start3A_65 = arith.constant 0 : i32
    %dma_start3A_66 = tpu.memref_slice %arg5[%add3A_64, %dma_start3A_65] : memref<256x4096xf32, #tpu.memory_space<hbm>> -> memref<4x4096xf32, #tpu.memory_space<hbm>>
    %dma_start3A_67 = arith.constant 0 : i32
    %dma_start3A_68 = tpu.memref_slice %arg5[%add3A_64, %dma_start3A_67] : memref<256x4096xf32, #tpu.memory_space<hbm>> -> memref<4x4096xf32, #tpu.memory_space<hbm>>
    tpu.enqueue_dma source(%arg9 : memref<4x4096xf32, #tpu.memory_space<vmem>>) target(%dma_start3A_68 : memref<4x4096xf32, #tpu.memory_space<hbm>>) target_semaphore(%arg16 : memref<!tpu.dma_semaphore, #tpu.memory_space<semaphore_mem>>)
    %dma_wait3A_69 = arith.constant 0 : i32
    %dma_wait3A_70 = tpu.memref_slice %arg8[%dma_wait3A_69] : memref<16xi32, #tpu.memory_space<vmem>> -> memref<4xi32, #tpu.memory_space<vmem>>
    %dma_wait3A_71 = arith.constant 0 : i32
    %dma_wait3A_72 = arith.constant 0 : i32
    %dma_wait3A_73 = tpu.memref_slice %arg2[%dma_wait3A_71, %dma_wait3A_72] : memref<8192x4096xf32, #tpu.memory_space<hbm>> -> memref<8192x4096xf32, #tpu.memory_space<hbm>>
    tpu.wait_indirect_dma semaphore(%arg14 : memref<!tpu.dma_semaphore, #tpu.memory_space<semaphore_mem>>) src(%dma_wait3A_73 : memref<8192x4096xf32, #tpu.memory_space<hbm>>) dst(%arg10 : memref<4x4096xf32, #tpu.memory_space<vmem>>)
    %add3A_74 = arith.constant 4 : i32
    %add3A_75 = arith.addi %select_n3A_7, %add3A_74 : i32
    %dma_start3A_76 = arith.constant 0 : i32
    %dma_start3A_77 = tpu.memref_slice %arg5[%add3A_75, %dma_start3A_76] : memref<256x4096xf32, #tpu.memory_space<hbm>> -> memref<4x4096xf32, #tpu.memory_space<hbm>>
    %dma_start3A_78 = arith.constant 0 : i32
    %dma_start3A_79 = tpu.memref_slice %arg5[%add3A_75, %dma_start3A_78] : memref<256x4096xf32, #tpu.memory_space<hbm>> -> memref<4x4096xf32, #tpu.memory_space<hbm>>
    tpu.enqueue_dma source(%arg10 : memref<4x4096xf32, #tpu.memory_space<vmem>>) target(%dma_start3A_79 : memref<4x4096xf32, #tpu.memory_space<hbm>>) target_semaphore(%arg16 : memref<!tpu.dma_semaphore, #tpu.memory_space<semaphore_mem>>)
    %convert_element_type3A_80 = arith.extui %eq3A_9 : i1 to i32
    %cond3A_81 = arith.constant 0 : i32
    %cond3A_82 = arith.cmpi ne, %convert_element_type3A_80, %cond3A_81 : i32
    scf.if %cond3A_82 {
      %dma_wait3A_91 = arith.constant 0 : i32
      %dma_wait3A_92 = arith.constant 0 : i32
      %dma_wait3A_93 = tpu.memref_slice %arg2[%dma_wait3A_91, %dma_wait3A_92] : memref<8192x4096xf32, #tpu.memory_space<hbm>> -> memref<8192x4096xf32, #tpu.memory_space<hbm>>
      tpu.wait_indirect_dma semaphore(%arg15 : memref<!tpu.dma_semaphore, #tpu.memory_space<semaphore_mem>>) src(%dma_wait3A_93 : memref<8192x4096xf32, #tpu.memory_space<hbm>>) dst(%arg12 : memref<1x4096xf32, #tpu.memory_space<vmem>>)
      tpu.enqueue_dma source(%arg12 : memref<1x4096xf32, #tpu.memory_space<vmem>>) target(%arg4 : memref<1x4096xf32, #tpu.memory_space<hbm>>) target_semaphore(%arg15 : memref<!tpu.dma_semaphore, #tpu.memory_space<semaphore_mem>>)
      tpu.wait_dma2 semaphore(%arg15 : memref<!tpu.dma_semaphore, #tpu.memory_space<semaphore_mem>>) src(%arg12 : memref<1x4096xf32, #tpu.memory_space<vmem>>) dst(%arg4 : memref<1x4096xf32, #tpu.memory_space<hbm>>)
    } else {
    }
    %dma_wait3A_83 = arith.constant 0 : i32
    %dma_wait3A_84 = tpu.memref_slice %arg5[%add3A_64, %dma_wait3A_83] : memref<256x4096xf32, #tpu.memory_space<hbm>> -> memref<4x4096xf32, #tpu.memory_space<hbm>>
    %dma_wait3A_85 = arith.constant 0 : i32
    %dma_wait3A_86 = tpu.memref_slice %arg5[%add3A_64, %dma_wait3A_85] : memref<256x4096xf32, #tpu.memory_space<hbm>> -> memref<4x4096xf32, #tpu.memory_space<hbm>>
    tpu.wait_dma2 semaphore(%arg16 : memref<!tpu.dma_semaphore, #tpu.memory_space<semaphore_mem>>) src(%arg9 : memref<4x4096xf32, #tpu.memory_space<vmem>>) dst(%dma_wait3A_86 : memref<4x4096xf32, #tpu.memory_space<hbm>>)
    %dma_wait3A_87 = arith.constant 0 : i32
    %dma_wait3A_88 = tpu.memref_slice %arg5[%add3A_75, %dma_wait3A_87] : memref<256x4096xf32, #tpu.memory_space<hbm>> -> memref<4x4096xf32, #tpu.memory_space<hbm>>
    %dma_wait3A_89 = arith.constant 0 : i32
    %dma_wait3A_90 = tpu.memref_slice %arg5[%add3A_75, %dma_wait3A_89] : memref<256x4096xf32, #tpu.memory_space<hbm>> -> memref<4x4096xf32, #tpu.memory_space<hbm>>
    tpu.wait_dma2 semaphore(%arg16 : memref<!tpu.dma_semaphore, #tpu.memory_space<semaphore_mem>>) src(%arg10 : memref<4x4096xf32, #tpu.memory_space<vmem>>) dst(%dma_wait3A_90 : memref<4x4096xf32, #tpu.memory_space<hbm>>)
    return
  }
}

</mosaic_0001>

<sc_bundles>
// kernel: kernel.3.cloned.1.call-start
scs
__scs_entry_jumppad:
0x0: {  	(pc) =	sbr.rel $0x88, $3  }
0x1: {  	(tag) =	ssettag $0x0;
	lr =	simm.s32 $0x1  }
0x2: {  	[smem:$0x3F9F] =	sst lr;
	_ =	strace $0xD0000000  }
0x3: {  	_ = 	snop  }
0x4: {  	_ = 	snop  }
0x5: {  	_ = 	snop  }
0x6: {  	_ = 	snop  }
0x7: {  	_ = 	snop  }
__scs_overlays_trampoline_lowered:
0x8: {  	[smem:$0x3FAE] =	sst s0  }
0x9: {  	[smem:$0x3FAF] =	sst s1  }
0xa: {  	[smem:$0x3FB0] =	sst s2  }
0xb: {  	[smem:$0x3FB1] =	sst s3  }
0xc: {  	[smem:$0x3FB2] =	sst s4  }
0xd: {  	[smem:$0x3FB3] =	sst s5  }
0xe: {  	[smem:$0x3FB4] =	sst s6  }
0xf: {  	[smem:$0x3FB5] =	sst s7  }
0x10: {  	[smem:$0x3FB6] =	sst s8  }
0x11: {  	[smem:$0x3FB7] =	sst s9;
	s0 =	simm.s32 @!p0 $0x0  }
0x12: {  	s1 =	sld [smem:$0x3F9D];
	s0 =	simm.s32 @p0 $0x1  }
0x13: {  	[smem:$0x3FB8] =	sst s0;
	s0 =	simm.s32 @!p1 $0x0  }
0x14: {  	s2 =	sld [smem:$0x3F9C];
	s0 =	simm.s32 @p1 $0x1  }
0x15: {  	[smem:$0x3FB9] =	sst s0;
	s0 =	simm.s32 @!p2 $0x0  }
0x16: {  	s3 =	sld [smem:$0x3FDB];
	s0 =	simm.s32 @p2 $0x1  }
0x17: {  	s4 =	simm.s32 $0x1BF5;
	[smem:$0x3FBB] =	sst s0  }
0x18: {  	s0 =	sld [smem:$0x3F9E];
	_ =	swait.ge [sflag:s4], $0x0  }
0x19: {  	s7 =	sld [smem:$0x3F9F]  }
0x1a: {  	s8 =	sadd.s32 $0xFFFFE003, lr  }
0x1b: {  	s9 =	sadd.s32 $0xFFFFFEF7, lr;
	s5 =	simm.s32 $0xFFFFFFFF;
	p2 =	slt.u32 s8, $0xFFFFF086  }
0x1c: {  	p1 =	slt.u32 s9, $0xF7A;
	s5 =	simm.s32 @!p2 $0x0  }
0x1d: {  	s5 =	simm.s32 @p1 $0x1;
	p0 =	seq.s32 s7, s2  }
0x1e: {  	s7 =	smul.u32 @!p0 $0xF7A, s2;
	p2 =	seq.s32 @!p0 s5, $0x0  }
0x1f: {  	s9 =	smul.u32 $0xF7A, s1;
	s8 =	simm.s32 @!p0 $0x1BF5;
	p2 =	por !p2, p0  }
0x20: {  	[sflag:s8] =	ssyncset.s32 @!p0 $0xFFFFF086;
	s6 =	sadd.s32 @!p0 s3, s7;
	s7 =	simm.s32 @!p0 $0x108  }
0x21: {  	s3 =	sadd.s32 s3, s9;
	s6 =	sadd.s32 @!p0 $0x88, s6;
	s7 =	simm.s32 @p2 $0x1082  }
0x22: {  	[simem:s7], [sflag:s8] =	dma.local @!p0 [hbm:s6], $0xF7A  }
0x23: {  	s9 =	sor.u32 $0xD0000000, s2;
	s6 =	simm.s32 $0x108;
	_ =	swait.ge @!p0 [sflag:s8], $0x0  }
0x24: {  	s3 =	sadd.s32 $0x88, s3;
	s6 =	simm.s32 @!p1 $0x1082;
	[sflag:s4] =	ssyncset.s32 $0xFFFFF086  }
0x25: {  	[simem:s6], [sflag:s4] =	dma.local [hbm:s3], $0xF7A  }
0x26: {  	[smem:$0x3F9F] =	sst s1;
	(tag) =	ssettag s2;
	_ =	strace s9  }
0x27: {  	s1 =	sld [smem:$0x3FAF]  }
0x28: {  	s2 =	sld [smem:$0x3FB0]  }
0x29: {  	s4 =	sld [smem:$0x3FB2]  }
0x2a: {  	p0 =	seq.s32 s5, $0x0;
	s5 =	sld [smem:$0x3FB3]  }
0x2b: {  	s6 =	sld [smem:$0x3FB4]  }
0x2c: {  	s7 =	sld [smem:$0x3FB5]  }
0x2d: {  	s3 =	simm.s32 $0x108;
	s8 =	sld [smem:$0x3FB6]  }
0x2e: {  	s3 =	simm.s32 @!p0 $0x1082;
	s9 =	sld [smem:$0x3FB7]  }
0x2f: {  	lr =	sadd.s32 s0, s3;
	s0 =	sld [smem:$0x3FAE]  }
0x30: {  	s3 =	sld [smem:$0x3FB1]  }
0x31: {  	[smem:$0x3FBA] =	sst s10  }
0x32: {  	s10 =	sld [smem:$0x3FB8];
	_ =	sdelay $0x3  }
0x33: {  	p0 =	seq.s32 s10, $0x1;
	s10 =	sld [smem:$0x3FBA];
	_ =	sdelay $0x3  }
0x34: {  	[smem:$0x3FBA] =	sst s10  }
0x35: {  	s10 =	sld [smem:$0x3FB9];
	_ =	sdelay $0x3  }
0x36: {  	p1 =	seq.s32 s10, $0x1;
	s10 =	sld [smem:$0x3FBA];
	_ =	sdelay $0x3  }
0x37: {  	[smem:$0x3FBA] =	sst s10  }
0x38: {  	s10 =	sld [smem:$0x3FBB]  }
0x39: {  	_ = 	snop;
	(pc) =	sbr.ind lr, $3  }
0x3a: {  	_ = 	snop  }
0x3b: {  	_ = 	snop  }
0x3c: {  	p2 =	seq.s32 s10, $0x1;
	s10 =	sld [smem:$0x3FBA]  }
0x3d: {  	_ =	shalt  }
0x3e: {  	_ =	shalt  }
0x3f: {  	_ =	shalt  }
0x40: {  	_ =	shalt  }
0x41: {  	_ =	shalt  }
0x42: {  	_ =	shalt  }
0x43: {  	_ =	shalt  }
0x44: {  	_ =	shalt  }
0x45: {  	_ =	shalt  }
0x46: {  	_ =	shalt  }
0x47: {  	_ =	shalt  }
0x48: {  	_ =	shalt  }
0x49: {  	_ =	shalt  }
0x4a: {  	_ =	shalt  }
0x4b: {  	_ =	shalt  }
0x4c: {  	_ =	shalt  }
0x4d: {  	_ =	shalt  }
0x4e: {  	_ =	shalt  }
0x4f: {  	_ =	shalt  }
0x50: {  	_ =	shalt  }
0x51: {  	_ =	shalt  }
0x52: {  	_ =	shalt  }
0x53: {  	_ =	shalt  }
0x54: {  	_ =	shalt  }
0x55: {  	_ =	shalt  }
0x56: {  	_ =	shalt  }
0x57: {  	_ =	shalt  }
0x58: {  	_ =	shalt  }
0x59: {  	_ =	shalt  }
0x5a: {  	_ =	shalt  }
0x5b: {  	_ =	shalt  }
0x5c: {  	_ =	shalt  }
0x5d: {  	_ =	shalt  }
0x5e: {  	_ =	shalt  }
0x5f: {  	_ =	shalt  }
0x60: {  	_ =	shalt  }
0x61: {  	_ =	shalt  }
0x62: {  	_ =	shalt  }
0x63: {  	_ =	shalt  }
0x64: {  	_ =	shalt  }
0x65: {  	_ =	shalt  }
0x66: {  	_ =	shalt  }
0x67: {  	_ =	shalt  }
0x68: {  	_ =	shalt  }
0x69: {  	_ =	shalt  }
0x6a: {  	_ =	shalt  }
0x6b: {  	_ =	shalt  }
0x6c: {  	_ =	shalt  }
0x6d: {  	_ =	shalt  }
0x6e: {  	_ =	shalt  }
0x6f: {  	_ =	shalt  }
0x70: {  	_ =	shalt  }
0x71: {  	_ =	shalt  }
0x72: {  	_ =	shalt  }
0x73: {  	_ =	shalt  }
0x74: {  	_ =	shalt  }
0x75: {  	_ =	shalt  }
0x76: {  	_ =	shalt  }
0x77: {  	_ =	shalt  }
0x78: {  	_ =	shalt  }
0x79: {  	_ =	shalt  }
0x7a: {  	_ =	shalt  }
0x7b: {  	_ =	shalt  }
0x7c: {  	_ =	shalt  }
0x7d: {  	_ =	shalt  }
0x7e: {  	_ =	shalt  }
0x7f: {  	_ =	shalt  }
0x80: {  	_ =	shalt  }
0x81: {  	_ =	shalt  }
0x82: {  	_ =	shalt  }
0x83: {  	_ =	shalt  }
0x84: {  	_ =	shalt  }
0x85: {  	_ =	shalt  }
0x86: {  	_ =	shalt  }
0x87: {  	_ =	shalt  }
.Lfunc_end0:
.L_simem_size_0:
called_computation_lowered:
.L_overlay_start_0:
0x88: {  	s2 =	sld [smem:$0x3FD9]  }
0x89: {  	s3 =	sld [smem:$0x3FFE];
	_ =	sdelay $0x1  }
0x8a: {  	s1 =	srdreg.scid  }
0x8b: {  	s0 =	sand.u32 $0x1, s1  }
0x8c: {  	s15 =	sshll.u32 s0, $0xA;
	s2 =	sadd.s32 s3, s2  }
0x8d: {  	s2 =	sadd.s32 s2, s15  }
0x8e: {  	[smem:$0x3FC6] =	sst s2  }
0x8f: {  	_ = 	snop  }
0x90: {  	s2 =	sld [smem:$0x3FD0];
	_ =	sdelay $0x1  }
0x91: {  	s16 =	sld [smem:$0x3FC9]  }
0x92: {  	s5 =	simm.s32 $0xA;
	s6 =	simm.s32 $0x10;
	s4 =	sld [smem:$0x3FC8]  }
0x93: {  	[smem:s6], [sflag:s5] =	dma.local [hbm:s2], $0x1  }
0x94: {  	_ =	swait.eq [sflag:s5], $0x1  }
0x95: {  	[sflag:s5] =	ssyncset.done $0x0  }
0x96: {  	s17 =	sld [smem:$0x10];
	[sflag:s5] =	ssyncadd.s32 $0xFFFFFFFF  }
0x97: {  	s18 =	sld [smem:$0x11];
	(tm) =	ssettm $0x1  }
0x98: {  	s19 =	sld [smem:$0x3FFB];
	_ =	sdelay $0x3  }
0x99: {  	_ =	strace s19  }
0x9a: {  	s6 =	sld [smem:$0x3FFC];
	_ =	sdelay $0x3  }
0x9b: {  	_ =	strace s6  }
0x9c: {  	s6 =	sld [smem:$0x3FFD];
	_ =	sdelay $0x3  }
0x9d: {  	_ =	strace s6  }
0x9e: {  	_ =	strace $0x8FFFFFFF  }
0x9f: {  	s20 =	sld [smem:$0x3FDB];
	_ =	sdelay $0x1  }
0xa0: {  	s7 =	simm.s32 $_scs_section_size  }
0xa1: {  	s8 =	simm.s32 $_size__tile_overlayer_lowered;
	s9 =	simm.s32 $_tile_overlayer_lowered  }
0xa2: {  	s23 =	simm.s32 $0x1BFF;
	s22 =	sshll.u32 s9, $0x1;
	s6 =	sadd.s32 s7, s20  }
0xa3: {  	s10 =	simm.s32 $0x0;
	s21 =	sshll.u32 s8, $0x1;
	s8 =	sadd.s32 s22, s6  }
0xa4: {  	[timem:s10], [sflag:s23] =	dma.local [hbm:s8], s21  }
0xa5: {  	_ =	swait.ge [sflag:s23], s21  }
0xa6: {  	s7 =	ssub.s32 $0x0, s21;
	[sflag:s23] =	ssyncset.done $0x0  }
0xa7: {  	[sflag:s23] =	ssyncadd.s32 s7;
	_ =	sdelay $0x1  }
0xa8: {  	s24 =	simm.s32 $0x1B8B  }
0xa9: {  	_ =	swait.ge [sflag:s24], $0x1  }
0xaa: {  	[sflag:s24] =	ssyncset.done $0x0  }
0xab: {  	s25 =	simm.s32 $0x1B8E;
	[sflag:s24] =	ssyncadd.s32 $0xFFFFFFFF  }
0xac: {  	s26 =	simm.s32 $execute0_lowered;
	[smem:$0x3FD2] =	sst s25  }
0xad: {  	s7 =	sshll.u32 s26, $0x1;
	_ =	strace $0x80000046;
	[dreg:$0x1] =	wrdreg $0xFFFFFFFF  }
0xae: {  	s28 =	simm.s32 $_size_execute0_lowered;
	s6 =	sadd.s32 s6, s7;
	[dreg:$0x0] =	wrdreg $0x0  }
0xaf: {  	s7 =	sshll.u32 s28, $0x1;
	[dreg:$0x2] =	wrdreg s6  }
0xb0: {  	[dreg:$0x3] =	wrdreg s7  }
0xb1: {  	[dreg:$0x4] =	wrdreg $0xC0  }
0xb2: {  	_ =	task [dreg:s10], $0x5FFFF  }
0xb3: {  	[dreg:$0x1] =	wrdreg $0xFFFFFFFF  }
0xb4: {  	[dreg:$0x0] =	wrdreg $0x60  }
0xb5: {  	[dreg:$0x2] =	wrdreg s16  }
0xb6: {  	[dreg:$0x3] =	wrdreg s4  }
0xb7: {  	[dreg:$0x4] =	wrdreg s17  }
0xb8: {  	[dreg:$0x5] =	wrdreg s18  }
0xb9: {  	[dreg:$0x6] =	wrdreg $0x9  }
0xba: {  	_ =	task.clear_ibuf [dreg:s10], $0x7FFFF;
	_ =	strace $0x90000046  }
0xbb: {  	s29 =	simm.s32 $0x9;
	_ =	strace $0x80000048  }
0xbc: {  	_ =	swait.ge [sflag:s29], $0x1  }
0xbd: {  	[sflag:s29] =	ssyncadd.s32 $0xFFFFFFFF  }
0xbe: {  	_ =	strace $0x90000048  }
0xbf: {  	_ =	sfence  }
0xc0: {  	s30 =	sld [smem:$0x0];
	_ =	sdelay $0x2  }
0xc1: {  	s31 =	sshll.u32 s1, $0xD;
	s1 =	sshrl.u32 s1, $0x2  }
0xc2: {  	s3 =	sand.u32 $0x4000, s31;
	s1 =	sadd.s32 s1, s30  }
0xc3: {  	s0 =	sor.u32 s3, s0;
	s1 =	sshll.u32 s1, $0x11  }
0xc4: {  	s0 =	sor.u32 s1, s0  }
0xc5: {  	s0 =	sadd.s32 $0x8F2B, s0  }
0xc6: {  	[sflag:s0] =	ssyncadd.remote.s32 $0x1  }
0xc7: {  	_ =	sfence.sel $0xFFFF  }
0xc8: {  	[dreg:$0x0] =	wrdreg $0xFFFFFFFF;
	(pc) =	sbr.abs _section_cstart, $3  }
0xc9: {  	[dreg:$0x1] =	wrdreg $0xFFFFFFFF  }
0xca: {  	_ =	task.clear_ibuf [dreg:s10], $0x2FFFF;
	_ =	strace $0x9FFFFFFF  }
0xcb: {  	(tm) =	ssettm $0x7FFFFFFF  }
tec
execute0_lowered:
.L_overlay_start_1:
0x0: {  	(tag) =	ssettag $0x1  }
0x1: {  	s1 =	rddreg [dreg:$0x0]  }
0x2: {  	s2 =	rddreg [dreg:$0x1]  }
0x3: {  	s4 =	rddreg [dreg:$0x2]  }
0x4: {  	s3 =	srdreg.scid;
	s6 =	rddreg [dreg:$0x3]  }
0x5: {  	s0 =	stileid.u32;
	[dreg:$0x5] =	wrdreg s4  }
0x6: {  	s5 =	sand.u32 $0x1, s3;
	s3 =	rddreg [dreg:$0x4];
	s4 =	simm.s32 $0x0  }
0x7: {  	s24 =	simm.s32 $0x980;
	s22 =	sadd.s32 $0x20, s2;
	[smem:$0x7FF] =	sst s4  }
0x8: {  	s25 =	simm.s32 $0x1180;
	_ =	strace $0x80000047;
	[dreg:$0x8] =	wrdreg s22  }
0x9: {  	s26 =	simm.s32 $0x1980;
	s10 =	simm.s32 $0x2180;
	[dreg:$0xa] =	wrdreg s24  }
0xa: {  	s11 =	simm.s32 $0x2980;
	s12 =	simm.s32 $0x3180;
	[dreg:$0xb] =	wrdreg s25  }
0xb: {  	s15 =	simm.s32 $0x3980;
	s28 =	simm.s32 $0x4980;
	[dreg:$0xc] =	wrdreg s26  }
0xc: {  	s29 =	simm.s32 $0x5180;
	s30 =	simm.s32 $0x5980;
	[dreg:$0xd] =	wrdreg s10  }
0xd: {  	s16 =	simm.s32 $0x6180;
	s17 =	simm.s32 $0x6980;
	[dreg:$0xe] =	wrdreg s11  }
0xe: {  	s31 =	simm.s32 $0x7180;
	s19 =	sshll.u32 s0, $0x1;
	[dreg:$0xf] =	wrdreg s12  }
0xf: {  	s18 =	simm.s32 $0x1;
	s14 =	sor.u32 s5, s19;
	[dreg:$0x10] =	wrdreg s15  }
0x10: {  	s9 =	ssub.s32 $0x2, s5;
	s19 =	simm.s32 $0x200;
	[dreg:$0x11] =	wrdreg s28  }
0x11: {  	p0 =	seq.s32 s14, $0x1F;
	s7 =	sshll.u32 s14, $0x3;
	[dreg:$0x12] =	wrdreg s29  }
0x12: {  	v0 =	vimm.s32 $0xFFEDCBA9;
	v1 =	vimm.s32 $0x87654321;
	s23 =	sshrl.u32 s9, $0x1;
	s10 =	sadd.s32 $0xA00, s1;
	[dreg:$0x13] =	wrdreg s30  }
0x13: {  	v0 =	vunpack.c.l.s4.s8 v0;
	v1 =	vunpack.c.l.s4.s8 v1;
	s11 =	sadd.s32 $0xC00, s1;
	s12 =	sadd.s32 $0xE00, s1;
	[dreg:$0x14] =	wrdreg s16  }
0x14: {  	p1 =	sne.s32 s14, $0x0;
	s15 =	simm.s32 $0x180;
	[dreg:$0x15] =	wrdreg s17  }
0x15: {  	v0 =	vunpack.c.0.s8.s32 v0;
	v1 =	vunpack.c.0.s8.s32 v1;
	s16 =	simm.s32 $0x4180;
	[dreg:$0x16] =	wrdreg s31;
	s17 =	simm.s32 $0x7980  }
0x16: {  	v2 =	vimm.s32 $0xCBA98765;
	s7 =	simm.s32 @p0 $0xF0;
	p0 =	seq.s32 s14, $0x1E;
	s13 =	ssub.s32 s9, s23  }
0x17: {  	s9 =	sadd.s32 $0x600, s1;
	s8 =	sadd.s32 $0x8, s7;
	s7 =	simm.s32 @p0 $0xF8;
	v0 =	vcombine.low v1, v0;
	v1 =	vunpack.c.l.s4.s8 v2  }
0x18: {  	s14 =	simm.s32 $0x4;
	s13 =	smax.u32 s13, $0x1;
	s20 =	sshrl.u32 s7, $0x3  }
0x19: {  	vm1 =	vmmov $0xffff;
	v3 =	vimm.s32 $0xF0F0E0D;
	s8 =	sshrl.u32 s8, $0x3;
	s7 =	sshll.u32 s7, $0x9;
	s5 =	sadd.s32 s2, s20;
	v1 =	vunpack.c.0.s8.s32 v1  }
0x1a: {  	vm2 =	vcmask $0x1F00;
	v3 =	vunpack.c.0.s8.s32 v3;
	v2 =	vlaneseq.u32;
	s21 =	sadd.s32 s2, s8;
	s7 =	sand.u32 $0x1FFFF000, s7;
	s8 =	sadd.s32 $0x400, s1  }
0x1b: {  	vm0 =	vmmov @!p1 $0xffff;
	v4 =	vshrl.u32 v2, $0x2;
	s20 =	simm.s32 $0x400;
	[dreg:$0x6] =	wrdreg s5;
	s5 =	sadd.s32 s6, s7;
	v1 =	vand.u32 $0xF, v1  }
0x1c: {  	v0 =	vand.u32 $0xF, v0;
	[dreg:$0x7] =	wrdreg s21;
	s6 =	sadd.s32 $0x800, s1;
	s7 =	sadd.s32 $0x40, s5;
	v5 =	vnsel vm2, $0xF, v1;
	vm2 =	vcmask $0x2F20  }
0x1d: {  	s21 =	simm.s32 $0x2;
	[dreg:$0x9] =	wrdreg s7;
	s7 =	sadd.s32 $0x200, s1;
	v1 =	vand.u32 $0x3, v2;
	v2 =	vmul.u32 $0x8, v4;
	v3 =	vsel vm2, v3, v5  }
.LBB2_1:
0x1e: {  	s22 =	rddreg [dreg:$0x6]  }
0x1f: {  	[tilespmem:s4], [sflag:$0x4] =	stream.linear.gather [hbm4b:s22+s4], $0x8, $0x38;
	[tilespmem:$0x9200] =	vst v63  }
0x20: {  	s23 =	simm.s32 @!p1 $0x8180;
	s22 =	simm.s32 @!p1 $0x0  }
0x21: {  	[tilespmem:s23], [sflag:$0x5] =	stream.linear.gather @!p1 [hbm4b:s2+s22], $0x1, $0x38;
	[tilespmem:$0x9200] =	vst v63  }
0x22: {  	s23 =	simm.s32 @!p1 $0x5  }
0x23: {  	_ =	swait.ge @!p1 [sflag:s23], $0x1  }
0x24: {  	[sflag:s23] =	ssyncset.done @!p1 $0x0  }
0x25: {  	[sflag:s23] =	ssyncadd.s32 @!p1 $0xFFFFFFFF  }
0x26: {  	v4 =	vld.msk @!p1 [tilespmem:$0x8180], $0x1;
	_ =	sdelay $0x4  }
0x27: {  	v5 =	vshll.u32 @!p1 v4, $0x5  }
0x28: {  	v4 =	vand.u32 @!p1 $0x7, v4;
	v5 =	vand.u32 @!p1 $0xFFFFFF00, v5  }
0x29: {  	v6 =	vlaneseq.u32 @!p1;
	v4 =	vor.u32 @!p1 v4, v5;
	v5 =	vimm.s32 @!p1 $0x0  }
0x2a: {  	v4 =	vperm.xlane @!p1 v4, v5;
	v5 =	vmul.u32 @!p1 $0x8, v6;
	_ =	sdelay $0x1  }
0x2b: {  	v4 =	vadd.s32 @!p1 v5, v4;
	_ =	sdelay $0x3  }
0x2c: {  	s23 =	simm.s32 @!p1 $0x8200  }
0x2d: {  	[tilespmem:s23], [sflag:$0x3] =	stream.indirect_vreg.gather @!p1 [hbm4b:s1+s22], $0x80, v4, vm0, $0xb8;
	[tilespmem:$0x9200] =	vst v63  }
0x2e: {  	s24 =	simm.s32 @!p1 $0x8A00  }
0x2f: {  	[tilespmem:s24], [sflag:$0x3] =	stream.indirect_vreg.gather @!p1 [hbm4b:s6+s22], $0x80, v4, vm0, $0xb8;
	[tilespmem:$0x9200] =	vst v63  }
0x30: {  	_ =	swait.ge [sflag:s14], $0x8  }
0x31: {  	[sflag:s14] =	ssyncset.done $0x0  }
0x32: {  	[sflag:s14] =	ssyncadd.s32 $0xFFFFFFF8  }
0x33: {  	v4 =	vld.idx.msk [tilespmem:v0+s4+$0x0], $0xffff;
	_ =	sdelay $0x4  }
0x34: {  	[tilespmem:$0x80] =	vst v4  }
0x35: {  	v4 =	vld.msk [tilespmem:$0x80], $0xf;
	_ =	sdelay $0x4  }
0x36: {  	v5 =	vshll.u32 v4, $0x5  }
0x37: {  	v4 =	vand.u32 $0x7, v4;
	v5 =	vand.u32 $0xFFFFFF00, v5  }
0x38: {  	v4 =	vor.u32 v4, v5  }
0x39: {  	v4 =	vperm.xlane v4, v1;
	_ =	sdelay $0x1  }
0x3a: {  	v4 =	vadd.s32 v2, v4;
	_ =	sdelay $0x4  }
0x3b: {  	[tilespmem:s15], [sflag:$0x1] =	stream.indirect_vreg.gather [hbm4b:s1+s4], $0x80, v4, vm1, $0xb8;
	[tilespmem:$0x9200] =	vst v63  }
0x3c: {  	s29 =	rddreg [dreg:$0xa]  }
0x3d: {  	[tilespmem:s29], [sflag:$0x1] =	stream.indirect_vreg.gather [hbm4b:s7+s4], $0x80, v4, vm1, $0xb8;
	[tilespmem:$0x9200] =	vst v63  }
0x3e: {  	s25 =	rddreg [dreg:$0xb]  }
0x3f: {  	[tilespmem:s25], [sflag:$0x1] =	stream.indirect_vreg.gather [hbm4b:s8+s4], $0x80, v4, vm1, $0xb8;
	[tilespmem:$0x9200] =	vst v63  }
0x40: {  	s30 =	rddreg [dreg:$0xc]  }
0x41: {  	[tilespmem:s30], [sflag:$0x1] =	stream.indirect_vreg.gather [hbm4b:s9+s4], $0x80, v4, vm1, $0xb8;
	[tilespmem:$0x9200] =	vst v63  }
0x42: {  	s31 =	rddreg [dreg:$0xd]  }
0x43: {  	[tilespmem:s31], [sflag:$0x1] =	stream.indirect_vreg.gather [hbm4b:s6+s4], $0x80, v4, vm1, $0xb8;
	[tilespmem:$0x9200] =	vst v63  }
0x44: {  	s26 =	rddreg [dreg:$0xe]  }
0x45: {  	[tilespmem:s26], [sflag:$0x1] =	stream.indirect_vreg.gather [hbm4b:s10+s4], $0x80, v4, vm1, $0xb8;
	[tilespmem:$0x9200] =	vst v63  }
0x46: {  	s28 =	rddreg [dreg:$0xf]  }
0x47: {  	[tilespmem:s28], [sflag:$0x1] =	stream.indirect_vreg.gather [hbm4b:s11+s4], $0x80, v4, vm1, $0xb8;
	[tilespmem:$0x9200] =	vst v63  }
0x48: {  	s29 =	rddreg [dreg:$0x10]  }
0x49: {  	[tilespmem:s29], [sflag:$0x1] =	stream.indirect_vreg.gather [hbm4b:s12+s4], $0x80, v4, vm1, $0xb8;
	[tilespmem:$0x9200] =	vst v63  }
0x4a: {  	s24 =	simm.s32 @p0 $0x0;
	s25 =	rddreg [dreg:$0x8];
	s26 =	simm.s32 @p0 $0x8  }
0x4b: {  	[tilespmem:s26], [sflag:$0x5] =	stream.linear.gather @p0 [hbm4b:s25+s24], $0x1, $0x38;
	[tilespmem:$0x9200] =	vst v63  }
0x4c: {  	s24 =	simm.s32 @p0 $0x5  }
0x4d: {  	_ =	swait.ge @p0 [sflag:s24], $0x1  }
0x4e: {  	s26 =	simm.s32 @!p0 $0x8;
	[sflag:s24] =	ssyncset.done @p0 $0x0  }
0x4f: {  	s25 =	rddreg [dreg:$0x7];
	[sflag:s24] =	ssyncadd.s32 @p0 $0xFFFFFFFF;
	s24 =	simm.s32 @!p0 $0x0  }
0x50: {  	[tilespmem:s26], [sflag:$0x5] =	stream.linear.gather @!p0 [hbm4b:s25+s24], $0x8, $0x38;
	[tilespmem:$0x9200] =	vst v63  }
0x51: {  	s24 =	simm.s32 @!p0 $0x5  }
0x52: {  	_ =	swait.ge @!p0 [sflag:s24], $0x8  }
0x53: {  	[sflag:s24] =	ssyncset.done @!p0 $0x0  }
0x54: {  	[sflag:s24] =	ssyncadd.s32 @!p0 $0xFFFFFFF8  }
0x55: {  	v4 =	vld.idx.msk [tilespmem:v3+s4+$0x0], $0xffff;
	_ =	sdelay $0x4  }
0x56: {  	[tilespmem:$0x100] =	vst v4  }
0x57: {  	v4 =	vld.msk [tilespmem:$0x100], $0xf;
	_ =	sdelay $0x4  }
0x58: {  	v5 =	vshll.u32 v4, $0x5  }
0x59: {  	v4 =	vand.u32 $0x7, v4;
	v5 =	vand.u32 $0xFFFFFF00, v5  }
0x5a: {  	v4 =	vor.u32 v4, v5  }
0x5b: {  	v4 =	vperm.xlane v4, v1;
	_ =	sdelay $0x1  }
0x5c: {  	v4 =	vadd.s32 v2, v4;
	_ =	sdelay $0x4  }
0x5d: {  	[tilespmem:s16], [sflag:$0x2] =	stream.indirect_vreg.gather [hbm4b:s1+s4], $0x80, v4, vm1, $0xb8;
	[tilespmem:$0x9200] =	vst v63  }
0x5e: {  	s30 =	rddreg [dreg:$0x11]  }
0x5f: {  	[tilespmem:s30], [sflag:$0x2] =	stream.indirect_vreg.gather [hbm4b:s7+s4], $0x80, v4, vm1, $0xb8;
	[tilespmem:$0x9200] =	vst v63  }
0x60: {  	s31 =	rddreg [dreg:$0x12]  }
0x61: {  	[tilespmem:s31], [sflag:$0x2] =	stream.indirect_vreg.gather [hbm4b:s8+s4], $0x80, v4, vm1, $0xb8;
	[tilespmem:$0x9200] =	vst v63  }
0x62: {  	s26 =	rddreg [dreg:$0x13]  }
0x63: {  	[tilespmem:s26], [sflag:$0x2] =	stream.indirect_vreg.gather [hbm4b:s9+s4], $0x80, v4, vm1, $0xb8;
	[tilespmem:$0x9200] =	vst v63  }
0x64: {  	s28 =	rddreg [dreg:$0x14]  }
0x65: {  	[tilespmem:s28], [sflag:$0x2] =	stream.indirect_vreg.gather [hbm4b:s6+s4], $0x80, v4, vm1, $0xb8;
	[tilespmem:$0x9200] =	vst v63  }
0x66: {  	s29 =	rddreg [dreg:$0x15]  }
0x67: {  	[tilespmem:s29], [sflag:$0x2] =	stream.indirect_vreg.gather [hbm4b:s10+s4], $0x80, v4, vm1, $0xb8;
	[tilespmem:$0x9200] =	vst v63  }
0x68: {  	s30 =	rddreg [dreg:$0x16]  }
0x69: {  	[tilespmem:s30], [sflag:$0x2] =	stream.indirect_vreg.gather [hbm4b:s11+s4], $0x80, v4, vm1, $0xb8;
	[tilespmem:$0x9200] =	vst v63  }
0x6a: {  	_ = 	snop  }
0x6b: {  	[tilespmem:s17], [sflag:$0x2] =	stream.indirect_vreg.gather [hbm4b:s12+s4], $0x80, v4, vm1, $0xb8;
	[tilespmem:$0x9200] =	vst v63  }
0x6c: {  	_ =	swait.ge [sflag:s18], $0x4000  }
0x6d: {  	[sflag:s18] =	ssyncset.done $0x0  }
0x6e: {  	[sflag:s18] =	ssyncadd.s32 $0xFFFFC000  }
0x6f: {  	[hbm4b:s5+s19] =	stream.strided.scatter [tilespmem:s15], [sflag:$0x4], $0x4000, s20, s19, $0x38;
	[tilespmem:$0x9200] =	vst v63  }
0x70: {  	_ =	swait.ge [sflag:s21], $0x4000  }
0x71: {  	[sflag:s21] =	ssyncset.done $0x0  }
0x72: {  	s24 =	simm.s32 @!p1 $0x3;
	s31 =	rddreg [dreg:$0x9];
	[sflag:s21] =	ssyncadd.s32 $0xFFFFC000  }
0x73: {  	[hbm4b:s31+s19] =	stream.strided.scatter [tilespmem:s16], [sflag:$0x4], $0x4000, s20, s19, $0x38;
	[tilespmem:$0x9200] =	vst v63  }
0x74: {  	_ =	swait.ge @!p1 [sflag:s24], $0x1000  }
0x75: {  	[sflag:s24] =	ssyncset.done @!p1 $0x0  }
0x76: {  	s25 =	rddreg [dreg:$0x5];
	[sflag:s24] =	ssyncadd.s32 @!p1 $0xFFFFF000  }
0x77: {  	[hbm4b:s25+s22] =	stream.linear.scatter @!p1 [tilespmem:s23], [sflag:$0x3], $0x1000, $0x38;
	[tilespmem:$0x9200] =	vst v63  }
0x78: {  	_ =	swait.ge @!p1 [sflag:s24], $0x1000  }
0x79: {  	[sflag:s24] =	ssyncset.done @!p1 $0x0  }
0x7a: {  	s13 =	sadd.s32 $0xFFFFFFFF, s13;
	[sflag:s24] =	ssyncadd.s32 @!p1 $0xFFFFF000  }
0x7b: {  	p2 =	sne.s32 s13, $0x0;
	_ =	swait.ge [sflag:s14], $0x4000  }
.Ltmp0:
0x7c: {  	[sflag:s14] =	ssyncset.done $0x0;
	(pc) =	sbr.rel @p2 .LBB2_1-.Ltmp0, $4  }
0x7d: {  	[sflag:s14] =	ssyncadd.s32 $0xFFFFC000  }
0x7e: {  	_ =	swait.ge [sflag:s14], $0x4000  }
0x7f: {  	[sflag:s14] =	ssyncset.done $0x0  }
0x80: {  	[sflag:s14] =	ssyncadd.s32 $0xFFFFC000  }
0x81: {  	_ =	sfence.sel $0x180000  }
0x82: {  	[bflag:$0x0] =	sbarrier.arrive $0xFFFF  }
0x83: {  	p0 =	sne.s32 s0, $0x0;
	_ =	strace $0x90000047  }
0x84: {  	s0 =	sadd.s32 @!p0 $0x100000, s3;
	[bflag:$0x2] =	sbarrier.arrive $0xFFFF  }
0x85: {  	[sflag:s0] =	ssyncadd.tile.s32 @!p0 $0x1;
	_ =	shalt  }
.Lfunc_end2:
_tile_overlayer_lowered:
.L_overlay_start_2:
0x86: {  	(tag) =	ssettag $0x2  }
0x87: {  	s0 =	rddreg [dreg:$0x0];
	s2 =	stileid.u32  }
0x88: {  	s1 =	rddreg [dreg:$0x1];
	p0 =	sne.s32 s2, $0x0  }
0x89: {  	s3 =	rddreg [dreg:$0x2];
	[bflag:$0x3] =	sbarrier.arrive $0xFFFF;
	s2 =	simm.s32 @!p0 $0x1C05  }
0x8a: {  	[timem:s3], [sflag:s2] =	dma.local @!p0 [hbm:s0], s1  }
0x8b: {  	s0 =	simm.s32 @!p0 $0x5  }
0x8c: {  	_ =	swait.ge @!p0 [sflag:s0], s1  }
0x8d: {  	s1 =	ssub.s32 @!p0 $0x0, s1;
	[sflag:s0] =	ssyncset.done @!p0 $0x0  }
0x8e: {  	[sflag:s0] =	ssyncadd.s32 @!p0 s1  }
0x8f: {  	[bflag:$0x3] =	sbarrier.arrive $0xFFFF  }
0x90: {  	_ =	shalt  }

</sc_bundles>
